<compile_context>
chip_gen: v7x
topology: tpu7x:2x2x1
jax: 0.10.2.dev20260603
libtpu: 0.0.44.dev20260713+nightly
codegen_flags: <defaults>
</compile_context>

<pallas_src>
import functools

import jax
import jax.numpy as jnp
from jax import lax
from jax.experimental import pallas as pl
from jax.experimental.pallas import tpu as pltpu
from jax.experimental.pallas import tpu_sc as plsc

_C = 256


def _sc_emb(N, H):
    info = plsc.get_sparse_core_info()
    NC, NS = info.num_cores, info.num_subcores
    NW = NC * NS
    b_per_w = N // NW
    n_chunks = b_per_w // _C
    mesh = plsc.VectorSubcoreMesh(core_axis_name="c", subcore_axis_name="s")

    @functools.partial(
        pl.kernel, mesh=mesh,
        out_type=jax.ShapeDtypeStruct((N, H), jnp.float32),
        scratch_types=[
            pltpu.VMEM((_C,), jnp.int32),
            pltpu.VMEM((_C,), jnp.int32),
            pltpu.VMEM((_C, H), jnp.float32),
            pltpu.VMEM((_C, H), jnp.float32),
            pltpu.SemaphoreType.DMA,
        ],
    )
    def k(ymi_hbm, dwi_hbm, ymt_hbm, dwt_hbm, out_hbm,
          ymi_v, dwi_v, ym_rows, dw_rows, sem):
        wid = lax.axis_index("s") * NC + lax.axis_index("c")
        wbase = wid * b_per_w

        def chunk(ci, _):
            base = wbase + ci * _C
            pltpu.sync_copy(ymi_hbm.at[pl.ds(base, _C)], ymi_v)
            pltpu.sync_copy(dwi_hbm.at[pl.ds(base, _C)], dwi_v)
            pltpu.async_copy(ymt_hbm.at[ymi_v], ym_rows, sem).wait()
            pltpu.async_copy(dwt_hbm.at[dwi_v], dw_rows, sem).wait()

            def row(r, _):
                for c in range(H // 16):
                    s = pl.ds(c * 16, 16)
                    ym_rows[r, s] = ym_rows[r, s] + dw_rows[r, s]
                return 0

            lax.fori_loop(0, _C, row, 0)
            pltpu.sync_copy(ym_rows, out_hbm.at[pl.ds(base, _C)])
            return 0

        lax.fori_loop(0, n_chunks, chunk, 0)

    return k


def _tc_body(hol_ref, emb_ref, w_h_ref, b_ref, out_ref, w_ref):
    B = out_ref.shape[1]
    H = out_ref.shape[2]
    i = pl.program_id(0)

    @pl.when(i == 0)
    def _init():
        w_ref[...] = w_h_ref[...].astype(jnp.bfloat16)

    for j in range(out_ref.shape[0]):
        hol = hol_ref[j].astype(jnp.bfloat16)
        lin = jax.lax.dot_general(hol, w_ref[...], (((0,), (1,)), ((), ())),
                                  preferred_element_type=jnp.float32)
        out_ref[j] = emb_ref[j] + lin + b_ref[...]


def kernel(year, month, day, weekday, holidays, year_table, month_table,
           day_table, weekday_table, W_h, b_h):
    B, L = year.shape
    H = year_table.shape[1]
    K = holidays.shape[-1]
    N = B * L

    ymi = (year.T.astype(jnp.int32) * 13 + month.T.astype(jnp.int32)).reshape(N)
    dwi = (day.T.astype(jnp.int32) * 8 + weekday.T.astype(jnp.int32)).reshape(N)
    ymt = (year_table[:, None, :] + month_table[None, :, :]).reshape(-1, H)
    dwt = (day_table[:, None, :] + weekday_table[None, :, :]).reshape(-1, H)

    embsum = _sc_emb(N, H)(ymi, dwi, ymt, dwt).reshape(L, B, H)

    holT = holidays.transpose(1, 2, 0)
    full = lambda shape: pl.BlockSpec(shape, lambda i: tuple(0 for _ in shape))

    outT = pl.pallas_call(
        _tc_body,
        grid=(L // 2,),
        in_specs=[
            pl.BlockSpec((2, K, B), lambda i: (i, 0, 0)),
            pl.BlockSpec((2, B, H), lambda i: (i, 0, 0)),
            full((H, K)),
            full((1, H)),
        ],
        out_specs=pl.BlockSpec((2, B, H), lambda i: (i, 0, 0)),
        out_shape=jax.ShapeDtypeStruct((L, B, H), jnp.float32),
        scratch_shapes=[
            pltpu.VMEM((H, K), jnp.bfloat16),
        ],
        compiler_params=pltpu.CompilerParams(
            dimension_semantics=("arbitrary",),
            fuse_transposed_lhs_in_matmul=True,
        ),
    )(holT, embsum, W_h, b_h.reshape(1, H))
    return outT.transpose(1, 0, 2)

# --- scband reference (transcript-rebuilt; emitter-appended) ---
"""Pipeline reference for scband-date-embeddings-53953379172501 (READ-ONLY COPY).

The authoritative reference and input builder live on the scoring server;
editing this copy changes nothing except your own understanding.
"""

import jax, jax.numpy as jnp
import numpy as np

B, L, H = 4096, 50, 128

def setup_inputs(seed: int = 0) -> dict:
    key = jax.random.key(seed)
    ks = jax.random.split(key, 10)
    year = jax.random.randint(ks[0], (B, L), 0, 51, dtype=jnp.int64) if jax.config.jax_enable_x64 else jax.random.randint(ks[0], (B, L), 0, 51).astype(jnp.int32)
    month = jax.random.randint(ks[1], (B, L), 0, 13).astype(year.dtype)
    day = jax.random.randint(ks[2], (B, L), 0, 32).astype(year.dtype)
    weekday = jax.random.randint(ks[3], (B, L), 0, 8).astype(year.dtype)
    holidays = jax.random.uniform(ks[4], (B, L, 120), dtype=jnp.float32)
    year_table = jax.random.normal(ks[5], (51, H), dtype=jnp.float32) * 0.02
    month_table = jax.random.normal(ks[6], (13, H), dtype=jnp.float32) * 0.02
    day_table = jax.random.normal(ks[7], (32, H), dtype=jnp.float32) * 0.02
    weekday_table = jax.random.normal(ks[8], (8, H), dtype=jnp.float32) * 0.02
    W_h = jax.random.normal(ks[9], (H, 120), dtype=jnp.float32) * (1.0 / np.sqrt(120.0))
    b_h = jnp.zeros((H,), dtype=jnp.float32)
    return {"year": year, "month": month, "day": day, "weekday": weekday,
            "holidays": holidays, "year_table": year_table, "month_table": month_table,
            "day_table": day_table, "weekday_table": weekday_table, "W_h": W_h, "b_h": b_h}

def reference(year, month, day, weekday, holidays, year_table, month_table, day_table, weekday_table, W_h, b_h):
    year_embeds = jnp.take(year_table, year, axis=0)
    month_embeds = jnp.take(month_table, month, axis=0)
    day_embeds = jnp.take(day_table, day, axis=0)
    weekday_embeds = jnp.take(weekday_table, weekday, axis=0)
    holidays_embeds = holidays.astype(W_h.dtype) @ W_h.T + b_h
    return year_embeds + month_embeds + day_embeds + weekday_embeds + holidays_embeds

if __name__ == "__main__":
    import jax
    _d = setup_inputs()
    print(jax.jit(kernel)(*tuple(_d.values())))

</pallas_src>

<mosaic_0001>
#map = affine_map<(d0, d1) -> (0)>
#map1 = affine_map<(d0, d1) -> (0, 0)>
module attributes {stable_mosaic.version = 14 : i64} {
  func.func @k(%arg0: i32, %arg1: i32, %arg2: memref<204800xi32, #tpu.memory_space<hbm>>, %arg3: memref<204800xi32, #tpu.memory_space<hbm>>, %arg4: memref<663x128xf32, #tpu.memory_space<hbm>>, %arg5: memref<256x128xf32, #tpu.memory_space<hbm>>, %arg6: memref<204800x128xf32, #tpu.memory_space<hbm>>, %arg7: memref<256xi32, #tpu.memory_space<vmem>>, %arg8: memref<256xi32, #tpu.memory_space<vmem>>, %arg9: memref<256x128xf32, #tpu.memory_space<vmem>>, %arg10: memref<256x128xf32, #tpu.memory_space<vmem>>, %arg11: memref<!tpu.dma_semaphore, #tpu.memory_space<semaphore_mem>>) attributes {dimension_semantics = [#tpu.dimension_semantics<core_parallel>, #tpu.dimension_semantics<subcore_parallel>], iteration_bounds = array<i64: 2, 16>, scalar_prefetch = 0 : i64, scratch_operands = 5 : i64, tpu.core_type = #tpu.core_type<sc_vector_subcore>, window_params = [{transform_indices = #map}, {transform_indices = #map}, {transform_indices = #map1}, {transform_indices = #map1}, {transform_indices = #map1}]} {
    %mul3A = arith.constant 2 : i32
    %mul3A_0 = arith.muli %arg1, %mul3A : i32
    %add3A = arith.addi %mul3A_0, %arg0 : i32
    %mul3A_1 = arith.constant 6400 : i32
    %mul3A_2 = arith.muli %add3A, %mul3A_1 : i32
    %scan3A = arith.constant 0 : i32
    %scan3A_3 = arith.constant 0 : i32
    %scan3A_4 = arith.constant 25 : i32
    %scan3A_5 = arith.addi %scan3A_3, %scan3A_4 : i32
    %scan3A_6 = arith.constant 1 : i32
    %scan3A_7 = scf.for %scan3A_9 = %scan3A_3 to %scan3A_5 step %scan3A_6 iter_args(%scan3A_10 = %scan3A) -> (i32)  : i32 {
      %mul3A_11 = arith.constant 256 : i32
      %mul3A_12 = arith.muli %scan3A_9, %mul3A_11 : i32
      %add3A_13 = arith.addi %mul3A_2, %mul3A_12 : i32
      "tpu.region"() ({
        %run_scoped3A = tpu.sem_alloc : memref<!tpu.dma_semaphore, #tpu.memory_space<semaphore_mem>>
        %dma_start3A_32 = tpu.memref_slice %arg2[%add3A_13] : memref<204800xi32, #tpu.memory_space<hbm>> -> memref<256xi32, #tpu.memory_space<hbm>>
        %dma_start3A_33 = tpu.memref_slice %arg2[%add3A_13] : memref<204800xi32, #tpu.memory_space<hbm>> -> memref<256xi32, #tpu.memory_space<hbm>>
        tpu.enqueue_dma source(%dma_start3A_33 : memref<256xi32, #tpu.memory_space<hbm>>) target(%arg7 : memref<256xi32, #tpu.memory_space<vmem>>) target_semaphore(%run_scoped3A : memref<!tpu.dma_semaphore, #tpu.memory_space<semaphore_mem>>)
        %dma_wait3A_34 = tpu.memref_slice %arg2[%add3A_13] : memref<204800xi32, #tpu.memory_space<hbm>> -> memref<256xi32, #tpu.memory_space<hbm>>
        %dma_wait3A_35 = tpu.memref_slice %arg2[%add3A_13] : memref<204800xi32, #tpu.memory_space<hbm>> -> memref<256xi32, #tpu.memory_space<hbm>>
        tpu.wait_dma2 semaphore(%run_scoped3A : memref<!tpu.dma_semaphore, #tpu.memory_space<semaphore_mem>>) src(%dma_wait3A_35 : memref<256xi32, #tpu.memory_space<hbm>>) dst(%arg7 : memref<256xi32, #tpu.memory_space<vmem>>)
        tpu.yield
      }) : () -> ()
      "tpu.region"() ({
        %run_scoped3A = tpu.sem_alloc : memref<!tpu.dma_semaphore, #tpu.memory_space<semaphore_mem>>
        %dma_start3A_32 = tpu.memref_slice %arg3[%add3A_13] : memref<204800xi32, #tpu.memory_space<hbm>> -> memref<256xi32, #tpu.memory_space<hbm>>
        %dma_start3A_33 = tpu.memref_slice %arg3[%add3A_13] : memref<204800xi32, #tpu.memory_space<hbm>> -> memref<256xi32, #tpu.memory_space<hbm>>
        tpu.enqueue_dma source(%dma_start3A_33 : memref<256xi32, #tpu.memory_space<hbm>>) target(%arg8 : memref<256xi32, #tpu.memory_space<vmem>>) target_semaphore(%run_scoped3A : memref<!tpu.dma_semaphore, #tpu.memory_space<semaphore_mem>>)
        %dma_wait3A_34 = tpu.memref_slice %arg3[%add3A_13] : memref<204800xi32, #tpu.memory_space<hbm>> -> memref<256xi32, #tpu.memory_space<hbm>>
        %dma_wait3A_35 = tpu.memref_slice %arg3[%add3A_13] : memref<204800xi32, #tpu.memory_space<hbm>> -> memref<256xi32, #tpu.memory_space<hbm>>
        tpu.wait_dma2 semaphore(%run_scoped3A : memref<!tpu.dma_semaphore, #tpu.memory_space<semaphore_mem>>) src(%dma_wait3A_35 : memref<256xi32, #tpu.memory_space<hbm>>) dst(%arg8 : memref<256xi32, #tpu.memory_space<vmem>>)
        tpu.yield
      }) : () -> ()
      %dma_start3A = arith.constant 0 : i32
      %dma_start3A_14 = arith.constant 0 : i32
      %dma_start3A_15 = tpu.memref_slice %arg4[%dma_start3A, %dma_start3A_14] : memref<663x128xf32, #tpu.memory_space<hbm>> -> memref<663x128xf32, #tpu.memory_space<hbm>>
      tpu.enqueue_indirect_dma source(%dma_start3A_15 : memref<663x128xf32, #tpu.memory_space<hbm>>) target(%arg9 : memref<256x128xf32, #tpu.memory_space<vmem>>) offsets(%arg7 : memref<256xi32, #tpu.memory_space<vmem>>) semaphore(%arg11 : memref<!tpu.dma_semaphore, #tpu.memory_space<semaphore_mem>>)
      %dma_wait3A = arith.constant 0 : i32
      %dma_wait3A_16 = arith.constant 0 : i32
      %dma_wait3A_17 = tpu.memref_slice %arg4[%dma_wait3A, %dma_wait3A_16] : memref<663x128xf32, #tpu.memory_space<hbm>> -> memref<663x128xf32, #tpu.memory_space<hbm>>
      tpu.wait_indirect_dma semaphore(%arg11 : memref<!tpu.dma_semaphore, #tpu.memory_space<semaphore_mem>>) src(%dma_wait3A_17 : memref<663x128xf32, #tpu.memory_space<hbm>>) dst(%arg9 : memref<256x128xf32, #tpu.memory_space<vmem>>)
      %dma_start3A_18 = arith.constant 0 : i32
      %dma_start3A_19 = arith.constant 0 : i32
      %dma_start3A_20 = tpu.memref_slice %arg5[%dma_start3A_18, %dma_start3A_19] : memref<256x128xf32, #tpu.memory_space<hbm>> -> memref<256x128xf32, #tpu.memory_space<hbm>>
      tpu.enqueue_indirect_dma source(%dma_start3A_20 : memref<256x128xf32, #tpu.memory_space<hbm>>) target(%arg10 : memref<256x128xf32, #tpu.memory_space<vmem>>) offsets(%arg8 : memref<256xi32, #tpu.memory_space<vmem>>) semaphore(%arg11 : memref<!tpu.dma_semaphore, #tpu.memory_space<semaphore_mem>>)
      %dma_wait3A_21 = arith.constant 0 : i32
      %dma_wait3A_22 = arith.constant 0 : i32
      %dma_wait3A_23 = tpu.memref_slice %arg5[%dma_wait3A_21, %dma_wait3A_22] : memref<256x128xf32, #tpu.memory_space<hbm>> -> memref<256x128xf32, #tpu.memory_space<hbm>>
      tpu.wait_indirect_dma semaphore(%arg11 : memref<!tpu.dma_semaphore, #tpu.memory_space<semaphore_mem>>) src(%dma_wait3A_23 : memref<256x128xf32, #tpu.memory_space<hbm>>) dst(%arg10 : memref<256x128xf32, #tpu.memory_space<vmem>>)
      %scan3A_24 = arith.constant 0 : i32
      %scan3A_25 = arith.constant 0 : i32
      %scan3A_26 = arith.constant 256 : i32
      %scan3A_27 = arith.addi %scan3A_25, %scan3A_26 : i32
      %scan3A_28 = arith.constant 1 : i32
      %scan3A_29 = scf.for %scan3A_32 = %scan3A_25 to %scan3A_27 step %scan3A_28 iter_args(%scan3A_33 = %scan3A_24) -> (i32)  : i32 {
        %get3A = arith.index_cast %scan3A_32 : i32 to index
        %get3A_34 = arith.constant 0 : index
        %get3A_35 = tpu.vector_load %arg9[%get3A, %get3A_34] {strides = array<i32>} : memref<256x128xf32, #tpu.memory_space<vmem>>, vector<1x16xf32>,
        %get3A_36 = vector.shape_cast %get3A_35 : vector<1x16xf32> to vector<16xf32>
        %get3A_37 = arith.index_cast %scan3A_32 : i32 to index
        %get3A_38 = arith.constant 0 : index
        %get3A_39 = tpu.vector_load %arg10[%get3A_37, %get3A_38] {strides = array<i32>} : memref<256x128xf32, #tpu.memory_space<vmem>>, vector<1x16xf32>,
        %get3A_40 = vector.shape_cast %get3A_39 : vector<1x16xf32> to vector<16xf32>
        %add3A_41 = arith.addf %get3A_36, %get3A_40 : vector<16xf32>
        %swap3A = arith.index_cast %scan3A_32 : i32 to index
        %swap3A_42 = arith.constant 0 : index
        %swap3A_43 = tpu.vector_load %arg9[%swap3A, %swap3A_42] {strides = array<i32>} : memref<256x128xf32, #tpu.memory_space<vmem>>, vector<1x16xf32>,
        %swap3A_44 = vector.shape_cast %swap3A_43 : vector<1x16xf32> to vector<16xf32>
        %swap3A_45 = vector.shape_cast %add3A_41 : vector<16xf32> to vector<1x16xf32>
        tpu.vector_store %arg9[%swap3A, %swap3A_42], %swap3A_45 {strides = array<i32>} : memref<256x128xf32, #tpu.memory_space<vmem>>, vector<1x16xf32>,
        %get3A_46 = arith.index_cast %scan3A_32 : i32 to index
        %get3A_47 = arith.constant 16 : index
        %get3A_48 = tpu.vector_load %arg9[%get3A_46, %get3A_47] {strides = array<i32>} : memref<256x128xf32, #tpu.memory_space<vmem>>, vector<1x16xf32>,
        %get3A_49 = vector.shape_cast %get3A_48 : vector<1x16xf32> to vector<16xf32>
        %get3A_50 = arith.index_cast %scan3A_32 : i32 to index
        %get3A_51 = arith.constant 16 : index
        %get3A_52 = tpu.vector_load %arg10[%get3A_50, %get3A_51] {strides = array<i32>} : memref<256x128xf32, #tpu.memory_space<vmem>>, vector<1x16xf32>,
        %get3A_53 = vector.shape_cast %get3A_52 : vector<1x16xf32> to vector<16xf32>
        %add3A_54 = arith.addf %get3A_49, %get3A_53 : vector<16xf32>
        %swap3A_55 = arith.index_cast %scan3A_32 : i32 to index
        %swap3A_56 = arith.constant 16 : index
        %swap3A_57 = tpu.vector_load %arg9[%swap3A_55, %swap3A_56] {strides = array<i32>} : memref<256x128xf32, #tpu.memory_space<vmem>>, vector<1x16xf32>,
        %swap3A_58 = vector.shape_cast %swap3A_57 : vector<1x16xf32> to vector<16xf32>
        %swap3A_59 = vector.shape_cast %add3A_54 : vector<16xf32> to vector<1x16xf32>
        tpu.vector_store %arg9[%swap3A_55, %swap3A_56], %swap3A_59 {strides = array<i32>} : memref<256x128xf32, #tpu.memory_space<vmem>>, vector<1x16xf32>,
        %get3A_60 = arith.index_cast %scan3A_32 : i32 to index
        %get3A_61 = arith.constant 32 : index
        %get3A_62 = tpu.vector_load %arg9[%get3A_60, %get3A_61] {strides = array<i32>} : memref<256x128xf32, #tpu.memory_space<vmem>>, vector<1x16xf32>,
        %get3A_63 = vector.shape_cast %get3A_62 : vector<1x16xf32> to vector<16xf32>
        %get3A_64 = arith.index_cast %scan3A_32 : i32 to index
        %get3A_65 = arith.constant 32 : index
        %get3A_66 = tpu.vector_load %arg10[%get3A_64, %get3A_65] {strides = array<i32>} : memref<256x128xf32, #tpu.memory_space<vmem>>, vector<1x16xf32>,
        %get3A_67 = vector.shape_cast %get3A_66 : vector<1x16xf32> to vector<16xf32>
        %add3A_68 = arith.addf %get3A_63, %get3A_67 : vector<16xf32>
        %swap3A_69 = arith.index_cast %scan3A_32 : i32 to index
        %swap3A_70 = arith.constant 32 : index
        %swap3A_71 = tpu.vector_load %arg9[%swap3A_69, %swap3A_70] {strides = array<i32>} : memref<256x128xf32, #tpu.memory_space<vmem>>, vector<1x16xf32>,
        %swap3A_72 = vector.shape_cast %swap3A_71 : vector<1x16xf32> to vector<16xf32>
        %swap3A_73 = vector.shape_cast %add3A_68 : vector<16xf32> to vector<1x16xf32>
        tpu.vector_store %arg9[%swap3A_69, %swap3A_70], %swap3A_73 {strides = array<i32>} : memref<256x128xf32, #tpu.memory_space<vmem>>, vector<1x16xf32>,
        %get3A_74 = arith.index_cast %scan3A_32 : i32 to index
        %get3A_75 = arith.constant 48 : index
        %get3A_76 = tpu.vector_load %arg9[%get3A_74, %get3A_75] {strides = array<i32>} : memref<256x128xf32, #tpu.memory_space<vmem>>, vector<1x16xf32>,
        %get3A_77 = vector.shape_cast %get3A_76 : vector<1x16xf32> to vector<16xf32>
        %get3A_78 = arith.index_cast %scan3A_32 : i32 to index
        %get3A_79 = arith.constant 48 : index
        %get3A_80 = tpu.vector_load %arg10[%get3A_78, %get3A_79] {strides = array<i32>} : memref<256x128xf32, #tpu.memory_space<vmem>>, vector<1x16xf32>,
        %get3A_81 = vector.shape_cast %get3A_80 : vector<1x16xf32> to vector<16xf32>
        %add3A_82 = arith.addf %get3A_77, %get3A_81 : vector<16xf32>
        %swap3A_83 = arith.index_cast %scan3A_32 : i32 to index
        %swap3A_84 = arith.constant 48 : index
        %swap3A_85 = tpu.vector_load %arg9[%swap3A_83, %swap3A_84] {strides = array<i32>} : memref<256x128xf32, #tpu.memory_space<vmem>>, vector<1x16xf32>,
        %swap3A_86 = vector.shape_cast %swap3A_85 : vector<1x16xf32> to vector<16xf32>
        %swap3A_87 = vector.shape_cast %add3A_82 : vector<16xf32> to vector<1x16xf32>
        tpu.vector_store %arg9[%swap3A_83, %swap3A_84], %swap3A_87 {strides = array<i32>} : memref<256x128xf32, #tpu.memory_space<vmem>>, vector<1x16xf32>,
        %get3A_88 = arith.index_cast %scan3A_32 : i32 to index
        %get3A_89 = arith.constant 64 : index
        %get3A_90 = tpu.vector_load %arg9[%get3A_88, %get3A_89] {strides = array<i32>} : memref<256x128xf32, #tpu.memory_space<vmem>>, vector<1x16xf32>,
        %get3A_91 = vector.shape_cast %get3A_90 : vector<1x16xf32> to vector<16xf32>
        %get3A_92 = arith.index_cast %scan3A_32 : i32 to index
        %get3A_93 = arith.constant 64 : index
        %get3A_94 = tpu.vector_load %arg10[%get3A_92, %get3A_93] {strides = array<i32>} : memref<256x128xf32, #tpu.memory_space<vmem>>, vector<1x16xf32>,
        %get3A_95 = vector.shape_cast %get3A_94 : vector<1x16xf32> to vector<16xf32>
        %add3A_96 = arith.addf %get3A_91, %get3A_95 : vector<16xf32>
        %swap3A_97 = arith.index_cast %scan3A_32 : i32 to index
        %swap3A_98 = arith.constant 64 : index
        %swap3A_99 = tpu.vector_load %arg9[%swap3A_97, %swap3A_98] {strides = array<i32>} : memref<256x128xf32, #tpu.memory_space<vmem>>, vector<1x16xf32>,
        %swap3A_100 = vector.shape_cast %swap3A_99 : vector<1x16xf32> to vector<16xf32>
        %swap3A_101 = vector.shape_cast %add3A_96 : vector<16xf32> to vector<1x16xf32>
        tpu.vector_store %arg9[%swap3A_97, %swap3A_98], %swap3A_101 {strides = array<i32>} : memref<256x128xf32, #tpu.memory_space<vmem>>, vector<1x16xf32>,
        %get3A_102 = arith.index_cast %scan3A_32 : i32 to index
        %get3A_103 = arith.constant 80 : index
        %get3A_104 = tpu.vector_load %arg9[%get3A_102, %get3A_103] {strides = array<i32>} : memref<256x128xf32, #tpu.memory_space<vmem>>, vector<1x16xf32>,
        %get3A_105 = vector.shape_cast %get3A_104 : vector<1x16xf32> to vector<16xf32>
        %get3A_106 = arith.index_cast %scan3A_32 : i32 to index
        %get3A_107 = arith.constant 80 : index
        %get3A_108 = tpu.vector_load %arg10[%get3A_106, %get3A_107] {strides = array<i32>} : memref<256x128xf32, #tpu.memory_space<vmem>>, vector<1x16xf32>,
        %get3A_109 = vector.shape_cast %get3A_108 : vector<1x16xf32> to vector<16xf32>
        %add3A_110 = arith.addf %get3A_105, %get3A_109 : vector<16xf32>
        %swap3A_111 = arith.index_cast %scan3A_32 : i32 to index
        %swap3A_112 = arith.constant 80 : index
        %swap3A_113 = tpu.vector_load %arg9[%swap3A_111, %swap3A_112] {strides = array<i32>} : memref<256x128xf32, #tpu.memory_space<vmem>>, vector<1x16xf32>,
        %swap3A_114 = vector.shape_cast %swap3A_113 : vector<1x16xf32> to vector<16xf32>
        %swap3A_115 = vector.shape_cast %add3A_110 : vector<16xf32> to vector<1x16xf32>
        tpu.vector_store %arg9[%swap3A_111, %swap3A_112], %swap3A_115 {strides = array<i32>} : memref<256x128xf32, #tpu.memory_space<vmem>>, vector<1x16xf32>,
        %get3A_116 = arith.index_cast %scan3A_32 : i32 to index
        %get3A_117 = arith.constant 96 : index
        %get3A_118 = tpu.vector_load %arg9[%get3A_116, %get3A_117] {strides = array<i32>} : memref<256x128xf32, #tpu.memory_space<vmem>>, vector<1x16xf32>,
        %get3A_119 = vector.shape_cast %get3A_118 : vector<1x16xf32> to vector<16xf32>
        %get3A_120 = arith.index_cast %scan3A_32 : i32 to index
        %get3A_121 = arith.constant 96 : index
        %get3A_122 = tpu.vector_load %arg10[%get3A_120, %get3A_121] {strides = array<i32>} : memref<256x128xf32, #tpu.memory_space<vmem>>, vector<1x16xf32>,
        %get3A_123 = vector.shape_cast %get3A_122 : vector<1x16xf32> to vector<16xf32>
        %add3A_124 = arith.addf %get3A_119, %get3A_123 : vector<16xf32>
        %swap3A_125 = arith.index_cast %scan3A_32 : i32 to index
        %swap3A_126 = arith.constant 96 : index
        %swap3A_127 = tpu.vector_load %arg9[%swap3A_125, %swap3A_126] {strides = array<i32>} : memref<256x128xf32, #tpu.memory_space<vmem>>, vector<1x16xf32>,
        %swap3A_128 = vector.shape_cast %swap3A_127 : vector<1x16xf32> to vector<16xf32>
        %swap3A_129 = vector.shape_cast %add3A_124 : vector<16xf32> to vector<1x16xf32>
        tpu.vector_store %arg9[%swap3A_125, %swap3A_126], %swap3A_129 {strides = array<i32>} : memref<256x128xf32, #tpu.memory_space<vmem>>, vector<1x16xf32>,
        %get3A_130 = arith.index_cast %scan3A_32 : i32 to index
        %get3A_131 = arith.constant 112 : index
        %get3A_132 = tpu.vector_load %arg9[%get3A_130, %get3A_131] {strides = array<i32>} : memref<256x128xf32, #tpu.memory_space<vmem>>, vector<1x16xf32>,
        %get3A_133 = vector.shape_cast %get3A_132 : vector<1x16xf32> to vector<16xf32>
        %get3A_134 = arith.index_cast %scan3A_32 : i32 to index
        %get3A_135 = arith.constant 112 : index
        %get3A_136 = tpu.vector_load %arg10[%get3A_134, %get3A_135] {strides = array<i32>} : memref<256x128xf32, #tpu.memory_space<vmem>>, vector<1x16xf32>,
        %get3A_137 = vector.shape_cast %get3A_136 : vector<1x16xf32> to vector<16xf32>
        %add3A_138 = arith.addf %get3A_133, %get3A_137 : vector<16xf32>
        %swap3A_139 = arith.index_cast %scan3A_32 : i32 to index
        %swap3A_140 = arith.constant 112 : index
        %swap3A_141 = tpu.vector_load %arg9[%swap3A_139, %swap3A_140] {strides = array<i32>} : memref<256x128xf32, #tpu.memory_space<vmem>>, vector<1x16xf32>,
        %swap3A_142 = vector.shape_cast %swap3A_141 : vector<1x16xf32> to vector<16xf32>
        %swap3A_143 = vector.shape_cast %add3A_138 : vector<16xf32> to vector<1x16xf32>
        tpu.vector_store %arg9[%swap3A_139, %swap3A_140], %swap3A_143 {strides = array<i32>} : memref<256x128xf32, #tpu.memory_space<vmem>>, vector<1x16xf32>,
        %scan3A_144 = arith.constant 0 : i32
        scf.yield %scan3A_144 : i32
      }
      %scan3A_30 = arith.constant 256 : i32
      "tpu.region"() ({
        %run_scoped3A = tpu.sem_alloc : memref<!tpu.dma_semaphore, #tpu.memory_space<semaphore_mem>>
        %dma_start3A_32 = arith.constant 0 : i32
        %dma_start3A_33 = tpu.memref_slice %arg6[%add3A_13, %dma_start3A_32] : memref<204800x128xf32, #tpu.memory_space<hbm>> -> memref<256x128xf32, #tpu.memory_space<hbm>>
        %dma_start3A_34 = arith.constant 0 : i32
        %dma_start3A_35 = tpu.memref_slice %arg6[%add3A_13, %dma_start3A_34] : memref<204800x128xf32, #tpu.memory_space<hbm>> -> memref<256x128xf32, #tpu.memory_space<hbm>>
        tpu.enqueue_dma source(%arg9 : memref<256x128xf32, #tpu.memory_space<vmem>>) target(%dma_start3A_35 : memref<256x128xf32, #tpu.memory_space<hbm>>) target_semaphore(%run_scoped3A : memref<!tpu.dma_semaphore, #tpu.memory_space<semaphore_mem>>)
        %dma_wait3A_36 = arith.constant 0 : i32
        %dma_wait3A_37 = tpu.memref_slice %arg6[%add3A_13, %dma_wait3A_36] : memref<204800x128xf32, #tpu.memory_space<hbm>> -> memref<256x128xf32, #tpu.memory_space<hbm>>
        %dma_wait3A_38 = arith.constant 0 : i32
        %dma_wait3A_39 = tpu.memref_slice %arg6[%add3A_13, %dma_wait3A_38] : memref<204800x128xf32, #tpu.memory_space<hbm>> -> memref<256x128xf32, #tpu.memory_space<hbm>>
        tpu.wait_dma2 semaphore(%run_scoped3A : memref<!tpu.dma_semaphore, #tpu.memory_space<semaphore_mem>>) src(%arg9 : memref<256x128xf32, #tpu.memory_space<vmem>>) dst(%dma_wait3A_39 : memref<256x128xf32, #tpu.memory_space<hbm>>)
        tpu.yield
      }) : () -> ()
      %scan3A_31 = arith.constant 0 : i32
      scf.yield %scan3A_31 : i32
    }
    %scan3A_8 = arith.constant 25 : i32
    return
  }
}

module attributes {stable_mosaic.version = 14 : i64} {
  func.func @_tc_body(%arg0: i32, %arg1: memref<2x120x4096xf32, #tpu.memory_space<vmem>>, %arg2: memref<2x4096x128xf32, #tpu.memory_space<vmem>>, %arg3: memref<128x120xf32, #tpu.memory_space<vmem>>, %arg4: memref<1x128xf32, #tpu.memory_space<vmem>>, %arg5: memref<2x4096x128xf32, #tpu.memory_space<vmem>>, %arg6: memref<128x120xbf16, #tpu.memory_space<vmem>>) attributes {dimension_semantics = [#tpu.dimension_semantics<arbitrary>], iteration_bounds = array<i64: 25>, scalar_prefetch = 0 : i64, scratch_operands = 1 : i64, tpu.core_type = #tpu.core_type<tc>, window_params = [{transform_indices = @transform_0, window_bounds = array<i64: 2, 120, 4096>}, {transform_indices = @transform_1, window_bounds = array<i64: 2, 4096, 128>}, {pipeline_mode = #tpu.pipeline_mode<synchronous>, transform_indices = @transform_2, window_bounds = array<i64: 128, 120>}, {pipeline_mode = #tpu.pipeline_mode<synchronous>, transform_indices = @transform_3, window_bounds = array<i64: 1, 128>}, {transform_indices = @transform_4, window_bounds = array<i64: 2, 4096, 128>}]} {
    %eq3A = arith.constant 0 : i32
    %eq3A_0 = arith.cmpi eq, %arg0, %eq3A : i32
    %convert_element_type3A = arith.extui %eq3A_0 : i1 to i32
    %cond3A = arith.constant 0 : i32
    %cond3A_1 = arith.cmpi ne, %convert_element_type3A, %cond3A : i32
    scf.if %cond3A_1 {
      %get3A_54 = arith.constant 0 : index
      %get3A_55 = arith.constant 0 : index
      %get3A_56 = vector.load %arg3[%get3A_54, %get3A_55] : memref<128x120xf32, #tpu.memory_space<vmem>>, vector<128x120xf32>
      %convert_element_type3A_57 = arith.truncf %get3A_56 : vector<128x120xf32> to vector<128x120xbf16>
      %swap3A_58 = arith.constant 0 : index
      %swap3A_59 = arith.constant 0 : index
      %swap3A_60 = vector.load %arg6[%swap3A_58, %swap3A_59] : memref<128x120xbf16, #tpu.memory_space<vmem>>, vector<128x120xbf16>
      tpu.vector_store %arg6[%swap3A_58, %swap3A_59], %convert_element_type3A_57 {strides = array<i32>} : memref<128x120xbf16, #tpu.memory_space<vmem>>, vector<128x120xbf16>,
    } else {
    }
    %get3A = arith.constant 0 : index
    %get3A_2 = arith.constant 0 : index
    %get3A_3 = arith.constant 0 : index
    %get3A_4 = vector.load %arg1[%get3A, %get3A_2, %get3A_3] : memref<2x120x4096xf32, #tpu.memory_space<vmem>>, vector<1x120x4096xf32>
    %get3A_5 = vector.shape_cast %get3A_4 : vector<1x120x4096xf32> to vector<120x4096xf32>
    %convert_element_type3A_6 = arith.truncf %get3A_5 : vector<120x4096xf32> to vector<120x4096xbf16>
    %get3A_7 = arith.constant 0 : index
    %get3A_8 = arith.constant 0 : index
    %get3A_9 = vector.load %arg6[%get3A_7, %get3A_8] : memref<128x120xbf16, #tpu.memory_space<vmem>>, vector<128x120xbf16>
    %dot_general3A = arith.constant dense<0.000000e+00> : vector<4096x128xf32>
    %dot_general3A_10 = tpu.matmul %convert_element_type3A_6, %get3A_9, %dot_general3A {dimension_numbers = #tpu.dot_dimension_numbers<[0], [1], [1], [0], [0, 1, 1, 0], [], []>, transpose_lhs_hint = true} : vector<120x4096xbf16>, vector<128x120xbf16>, vector<4096x128xf32> -> vector<4096x128xf32>
    %get3A_11 = arith.constant 0 : index
    %get3A_12 = arith.constant 0 : index
    %get3A_13 = arith.constant 0 : index
    %get3A_14 = vector.load %arg2[%get3A_11, %get3A_12, %get3A_13] : memref<2x4096x128xf32, #tpu.memory_space<vmem>>, vector<1x4096x128xf32>
    %get3A_15 = vector.shape_cast %get3A_14 : vector<1x4096x128xf32> to vector<4096x128xf32>
    %add3A = arith.addf %get3A_15, %dot_general3A_10 : vector<4096x128xf32>
    %get3A_16 = arith.constant 0 : index
    %get3A_17 = arith.constant 0 : index
    %get3A_18 = vector.load %arg4[%get3A_16, %get3A_17] : memref<1x128xf32, #tpu.memory_space<vmem>>, vector<1x128xf32>
    %add3A_19 = vector.broadcast %get3A_18 : vector<1x128xf32> to vector<4096x128xf32>
    %add3A_20 = arith.addf %add3A, %add3A_19 : vector<4096x128xf32>
    %swap3A = arith.constant 0 : index
    %swap3A_21 = arith.constant 0 : index
    %swap3A_22 = arith.constant 0 : index
    %swap3A_23 = vector.load %arg5[%swap3A, %swap3A_21, %swap3A_22] : memref<2x4096x128xf32, #tpu.memory_space<vmem>>, vector<1x4096x128xf32>
    %swap3A_24 = vector.shape_cast %swap3A_23 : vector<1x4096x128xf32> to vector<4096x128xf32>
    %swap3A_25 = vector.shape_cast %add3A_20 : vector<4096x128xf32> to vector<1x4096x128xf32>
    tpu.vector_store %arg5[%swap3A, %swap3A_21, %swap3A_22], %swap3A_25 {strides = array<i32>} : memref<2x4096x128xf32, #tpu.memory_space<vmem>>, vector<1x4096x128xf32>,
    %get3A_26 = arith.constant 1 : index
    %get3A_27 = arith.constant 0 : index
    %get3A_28 = arith.constant 0 : index
    %get3A_29 = vector.load %arg1[%get3A_26, %get3A_27, %get3A_28] : memref<2x120x4096xf32, #tpu.memory_space<vmem>>, vector<1x120x4096xf32>
    %get3A_30 = vector.shape_cast %get3A_29 : vector<1x120x4096xf32> to vector<120x4096xf32>
    %convert_element_type3A_31 = arith.truncf %get3A_30 : vector<120x4096xf32> to vector<120x4096xbf16>
    %get3A_32 = arith.constant 0 : index
    %get3A_33 = arith.constant 0 : index
    %get3A_34 = vector.load %arg6[%get3A_32, %get3A_33] : memref<128x120xbf16, #tpu.memory_space<vmem>>, vector<128x120xbf16>
    %dot_general3A_35 = arith.constant dense<0.000000e+00> : vector<4096x128xf32>
    %dot_general3A_36 = tpu.matmul %convert_element_type3A_31, %get3A_34, %dot_general3A_35 {dimension_numbers = #tpu.dot_dimension_numbers<[0], [1], [1], [0], [0, 1, 1, 0], [], []>, transpose_lhs_hint = true} : vector<120x4096xbf16>, vector<128x120xbf16>, vector<4096x128xf32> -> vector<4096x128xf32>
    %get3A_37 = arith.constant 1 : index
    %get3A_38 = arith.constant 0 : index
    %get3A_39 = arith.constant 0 : index
    %get3A_40 = vector.load %arg2[%get3A_37, %get3A_38, %get3A_39] : memref<2x4096x128xf32, #tpu.memory_space<vmem>>, vector<1x4096x128xf32>
    %get3A_41 = vector.shape_cast %get3A_40 : vector<1x4096x128xf32> to vector<4096x128xf32>
    %add3A_42 = arith.addf %get3A_41, %dot_general3A_36 : vector<4096x128xf32>
    %get3A_43 = arith.constant 0 : index
    %get3A_44 = arith.constant 0 : index
    %get3A_45 = vector.load %arg4[%get3A_43, %get3A_44] : memref<1x128xf32, #tpu.memory_space<vmem>>, vector<1x128xf32>
    %add3A_46 = vector.broadcast %get3A_45 : vector<1x128xf32> to vector<4096x128xf32>
    %add3A_47 = arith.addf %add3A_42, %add3A_46 : vector<4096x128xf32>
    %swap3A_48 = arith.constant 1 : index
    %swap3A_49 = arith.constant 0 : index
    %swap3A_50 = arith.constant 0 : index
    %swap3A_51 = vector.load %arg5[%swap3A_48, %swap3A_49, %swap3A_50] : memref<2x4096x128xf32, #tpu.memory_space<vmem>>, vector<1x4096x128xf32>
    %swap3A_52 = vector.shape_cast %swap3A_51 : vector<1x4096x128xf32> to vector<4096x128xf32>
    %swap3A_53 = vector.shape_cast %add3A_47 : vector<4096x128xf32> to vector<1x4096x128xf32>
    tpu.vector_store %arg5[%swap3A_48, %swap3A_49, %swap3A_50], %swap3A_53 {strides = array<i32>} : memref<2x4096x128xf32, #tpu.memory_space<vmem>>, vector<1x4096x128xf32>,
    return
  }
  func.func @transform_0(%arg0: i32) -> (i32, i32, i32) {
    %c0_i32 = arith.constant 0 : i32
    %c0_i32_0 = arith.constant 0 : i32
    %c0_i32_1 = arith.constant 0 : i32
    return %arg0, %c0_i32, %c0_i32_0 : i32, i32, i32
  }
  func.func @transform_1(%arg0: i32) -> (i32, i32, i32) {
    %c0_i32 = arith.constant 0 : i32
    %c0_i32_0 = arith.constant 0 : i32
    %c0_i32_1 = arith.constant 0 : i32
    return %arg0, %c0_i32, %c0_i32_0 : i32, i32, i32
  }
  func.func @transform_2(%arg0: i32) -> (i32, i32) {
    %c0_i32 = arith.constant 0 : i32
    %c0_i32_0 = arith.constant 0 : i32
    %c0_i32_1 = arith.constant 0 : i32
    return %c0_i32, %c0_i32_0 : i32, i32
  }
  func.func @transform_3(%arg0: i32) -> (i32, i32) {
    %c0_i32 = arith.constant 0 : i32
    %c0_i32_0 = arith.constant 0 : i32
    %c0_i32_1 = arith.constant 0 : i32
    return %c0_i32, %c0_i32_0 : i32, i32
  }
  func.func @transform_4(%arg0: i32) -> (i32, i32, i32) {
    %c0_i32 = arith.constant 0 : i32
    %c0_i32_0 = arith.constant 0 : i32
    %c0_i32_1 = arith.constant 0 : i32
    return %arg0, %c0_i32, %c0_i32_0 : i32, i32, i32
  }
}

</mosaic_0001>

<sc_bundles>
// kernel: kernel.4.cloned.1.call-start
scs
__scs_entry_jumppad:
0x0: {  	(pc) =	sbr.rel $0x88, $3  }
0x1: {  	(tag) =	ssettag $0x0;
	lr =	simm.s32 $0x1  }
0x2: {  	[smem:$0x3F96] =	sst lr;
	_ =	strace $0xD0000000  }
0x3: {  	_ = 	snop  }
0x4: {  	_ = 	snop  }
0x5: {  	_ = 	snop  }
0x6: {  	_ = 	snop  }
0x7: {  	_ = 	snop  }
__scs_overlays_trampoline_lowered:
0x8: {  	[smem:$0x3FA5] =	sst s0  }
0x9: {  	[smem:$0x3FA6] =	sst s1  }
0xa: {  	[smem:$0x3FA7] =	sst s2  }
0xb: {  	[smem:$0x3FA8] =	sst s3  }
0xc: {  	[smem:$0x3FA9] =	sst s4  }
0xd: {  	[smem:$0x3FAA] =	sst s5  }
0xe: {  	[smem:$0x3FAB] =	sst s6  }
0xf: {  	[smem:$0x3FAC] =	sst s7  }
0x10: {  	[smem:$0x3FAD] =	sst s8  }
0x11: {  	[smem:$0x3FAE] =	sst s9;
	s0 =	simm.s32 @!p0 $0x0  }
0x12: {  	s1 =	sld [smem:$0x3F94];
	s0 =	simm.s32 @p0 $0x1  }
0x13: {  	[smem:$0x3FAF] =	sst s0;
	s0 =	simm.s32 @!p1 $0x0  }
0x14: {  	s2 =	sld [smem:$0x3F93];
	s0 =	simm.s32 @p1 $0x1  }
0x15: {  	[smem:$0x3FB0] =	sst s0;
	s0 =	simm.s32 @!p2 $0x0  }
0x16: {  	s3 =	sld [smem:$0x3FDB];
	s0 =	simm.s32 @p2 $0x1  }
0x17: {  	s4 =	simm.s32 $0x1BF5;
	[smem:$0x3FB2] =	sst s0  }
0x18: {  	s0 =	sld [smem:$0x3F95];
	_ =	swait.ge [sflag:s4], $0x0  }
0x19: {  	s7 =	sld [smem:$0x3F96]  }
0x1a: {  	s8 =	sadd.s32 $0xFFFFE003, lr  }
0x1b: {  	s9 =	sadd.s32 $0xFFFFFEF7, lr;
	s5 =	simm.s32 $0xFFFFFFFF;
	p2 =	slt.u32 s8, $0xFFFFF086  }
0x1c: {  	p1 =	slt.u32 s9, $0xF7A;
	s5 =	simm.s32 @!p2 $0x0  }
0x1d: {  	s5 =	simm.s32 @p1 $0x1;
	p0 =	seq.s32 s7, s2  }
0x1e: {  	s7 =	smul.u32 @!p0 $0xF7A, s2;
	p2 =	seq.s32 @!p0 s5, $0x0  }
0x1f: {  	s9 =	smul.u32 $0xF7A, s1;
	s8 =	simm.s32 @!p0 $0x1BF5;
	p2 =	por !p2, p0  }
0x20: {  	[sflag:s8] =	ssyncset.s32 @!p0 $0xFFFFF086;
	s6 =	sadd.s32 @!p0 s3, s7;
	s7 =	simm.s32 @!p0 $0x108  }
0x21: {  	s3 =	sadd.s32 s3, s9;
	s6 =	sadd.s32 @!p0 $0x88, s6;
	s7 =	simm.s32 @p2 $0x1082  }
0x22: {  	[simem:s7], [sflag:s8] =	dma.local @!p0 [hbm:s6], $0xF7A  }
0x23: {  	s9 =	sor.u32 $0xD0000000, s2;
	s6 =	simm.s32 $0x108;
	_ =	swait.ge @!p0 [sflag:s8], $0x0  }
0x24: {  	s3 =	sadd.s32 $0x88, s3;
	s6 =	simm.s32 @!p1 $0x1082;
	[sflag:s4] =	ssyncset.s32 $0xFFFFF086  }
0x25: {  	[simem:s6], [sflag:s4] =	dma.local [hbm:s3], $0xF7A  }
0x26: {  	[smem:$0x3F96] =	sst s1;
	(tag) =	ssettag s2;
	_ =	strace s9  }
0x27: {  	s1 =	sld [smem:$0x3FA6]  }
0x28: {  	s2 =	sld [smem:$0x3FA7]  }
0x29: {  	s4 =	sld [smem:$0x3FA9]  }
0x2a: {  	p0 =	seq.s32 s5, $0x0;
	s5 =	sld [smem:$0x3FAA]  }
0x2b: {  	s6 =	sld [smem:$0x3FAB]  }
0x2c: {  	s7 =	sld [smem:$0x3FAC]  }
0x2d: {  	s3 =	simm.s32 $0x108;
	s8 =	sld [smem:$0x3FAD]  }
0x2e: {  	s3 =	simm.s32 @!p0 $0x1082;
	s9 =	sld [smem:$0x3FAE]  }
0x2f: {  	lr =	sadd.s32 s0, s3;
	s0 =	sld [smem:$0x3FA5]  }
0x30: {  	s3 =	sld [smem:$0x3FA8]  }
0x31: {  	[smem:$0x3FB1] =	sst s10  }
0x32: {  	s10 =	sld [smem:$0x3FAF];
	_ =	sdelay $0x3  }
0x33: {  	p0 =	seq.s32 s10, $0x1;
	s10 =	sld [smem:$0x3FB1];
	_ =	sdelay $0x3  }
0x34: {  	[smem:$0x3FB1] =	sst s10  }
0x35: {  	s10 =	sld [smem:$0x3FB0];
	_ =	sdelay $0x3  }
0x36: {  	p1 =	seq.s32 s10, $0x1;
	s10 =	sld [smem:$0x3FB1];
	_ =	sdelay $0x3  }
0x37: {  	[smem:$0x3FB1] =	sst s10  }
0x38: {  	s10 =	sld [smem:$0x3FB2]  }
0x39: {  	_ = 	snop;
	(pc) =	sbr.ind lr, $3  }
0x3a: {  	_ = 	snop  }
0x3b: {  	_ = 	snop  }
0x3c: {  	p2 =	seq.s32 s10, $0x1;
	s10 =	sld [smem:$0x3FB1]  }
0x3d: {  	_ =	shalt  }
0x3e: {  	_ =	shalt  }
0x3f: {  	_ =	shalt  }
0x40: {  	_ =	shalt  }
0x41: {  	_ =	shalt  }
0x42: {  	_ =	shalt  }
0x43: {  	_ =	shalt  }
0x44: {  	_ =	shalt  }
0x45: {  	_ =	shalt  }
0x46: {  	_ =	shalt  }
0x47: {  	_ =	shalt  }
0x48: {  	_ =	shalt  }
0x49: {  	_ =	shalt  }
0x4a: {  	_ =	shalt  }
0x4b: {  	_ =	shalt  }
0x4c: {  	_ =	shalt  }
0x4d: {  	_ =	shalt  }
0x4e: {  	_ =	shalt  }
0x4f: {  	_ =	shalt  }
0x50: {  	_ =	shalt  }
0x51: {  	_ =	shalt  }
0x52: {  	_ =	shalt  }
0x53: {  	_ =	shalt  }
0x54: {  	_ =	shalt  }
0x55: {  	_ =	shalt  }
0x56: {  	_ =	shalt  }
0x57: {  	_ =	shalt  }
0x58: {  	_ =	shalt  }
0x59: {  	_ =	shalt  }
0x5a: {  	_ =	shalt  }
0x5b: {  	_ =	shalt  }
0x5c: {  	_ =	shalt  }
0x5d: {  	_ =	shalt  }
0x5e: {  	_ =	shalt  }
0x5f: {  	_ =	shalt  }
0x60: {  	_ =	shalt  }
0x61: {  	_ =	shalt  }
0x62: {  	_ =	shalt  }
0x63: {  	_ =	shalt  }
0x64: {  	_ =	shalt  }
0x65: {  	_ =	shalt  }
0x66: {  	_ =	shalt  }
0x67: {  	_ =	shalt  }
0x68: {  	_ =	shalt  }
0x69: {  	_ =	shalt  }
0x6a: {  	_ =	shalt  }
0x6b: {  	_ =	shalt  }
0x6c: {  	_ =	shalt  }
0x6d: {  	_ =	shalt  }
0x6e: {  	_ =	shalt  }
0x6f: {  	_ =	shalt  }
0x70: {  	_ =	shalt  }
0x71: {  	_ =	shalt  }
0x72: {  	_ =	shalt  }
0x73: {  	_ =	shalt  }
0x74: {  	_ =	shalt  }
0x75: {  	_ =	shalt  }
0x76: {  	_ =	shalt  }
0x77: {  	_ =	shalt  }
0x78: {  	_ =	shalt  }
0x79: {  	_ =	shalt  }
0x7a: {  	_ =	shalt  }
0x7b: {  	_ =	shalt  }
0x7c: {  	_ =	shalt  }
0x7d: {  	_ =	shalt  }
0x7e: {  	_ =	shalt  }
0x7f: {  	_ =	shalt  }
0x80: {  	_ =	shalt  }
0x81: {  	_ =	shalt  }
0x82: {  	_ =	shalt  }
0x83: {  	_ =	shalt  }
0x84: {  	_ =	shalt  }
0x85: {  	_ =	shalt  }
0x86: {  	_ =	shalt  }
0x87: {  	_ =	shalt  }
.Lfunc_end0:
.L_simem_size_0:
called_computation_lowered:
.L_overlay_start_0:
0x88: {  	s2 =	sld [smem:$0x3FD9]  }
0x89: {  	s3 =	sld [smem:$0x3FFE];
	_ =	sdelay $0x1  }
0x8a: {  	s1 =	srdreg.scid  }
0x8b: {  	s0 =	sand.u32 $0x1, s1  }
0x8c: {  	s17 =	sshll.u32 s0, $0xA;
	s2 =	sadd.s32 s3, s2  }
0x8d: {  	s2 =	sadd.s32 s2, s17  }
0x8e: {  	[smem:$0x3FBD] =	sst s2  }
0x8f: {  	_ = 	snop  }
0x90: {  	s2 =	sld [smem:$0x3FD0];
	(tm) =	ssettm $0x1  }
0x91: {  	s18 =	sld [smem:$0x3FFB];
	_ =	sdelay $0x3  }
0x92: {  	_ =	strace s18  }
0x93: {  	s3 =	sld [smem:$0x3FFC];
	_ =	sdelay $0x3  }
0x94: {  	_ =	strace s3  }
0x95: {  	s3 =	sld [smem:$0x3FFD];
	_ =	sdelay $0x3  }
0x96: {  	_ =	strace s3  }
0x97: {  	_ =	strace $0x8FFFFFFF  }
0x98: {  	s19 =	sld [smem:$0x3FDB];
	_ =	sdelay $0x1  }
0x99: {  	s4 =	simm.s32 $_scs_section_size  }
0x9a: {  	s5 =	simm.s32 $_size__tile_overlayer_lowered;
	s6 =	simm.s32 $_tile_overlayer_lowered  }
0x9b: {  	s22 =	simm.s32 $0x1BFF;
	s21 =	sshll.u32 s6, $0x1;
	s3 =	sadd.s32 s4, s19  }
0x9c: {  	s7 =	simm.s32 $0x0;
	s20 =	sshll.u32 s5, $0x1;
	s5 =	sadd.s32 s21, s3  }
0x9d: {  	[timem:s7], [sflag:s22] =	dma.local [hbm:s5], s20  }
0x9e: {  	_ =	swait.ge [sflag:s22], s20  }
0x9f: {  	s4 =	ssub.s32 $0x0, s20;
	[sflag:s22] =	ssyncset.done $0x0  }
0xa0: {  	[sflag:s22] =	ssyncadd.s32 s4;
	_ =	sdelay $0x1  }
0xa1: {  	s23 =	simm.s32 $0x1B8B  }
0xa2: {  	_ =	swait.ge [sflag:s23], $0x1  }
0xa3: {  	[sflag:s23] =	ssyncset.done $0x0  }
0xa4: {  	s25 =	simm.s32 $0x1B8E;
	s24 =	sld [smem:$0x3FFE];
	[sflag:s23] =	ssyncadd.s32 $0xFFFFFFFF  }
0xa5: {  	s26 =	simm.s32 $execute0_lowered;
	[smem:$0x3FD2] =	sst s25  }
0xa6: {  	s5 =	sshll.u32 s26, $0x1;
	_ =	strace $0x80000046;
	[dreg:$0x1] =	wrdreg $0xFFFFFFFF  }
0xa7: {  	s28 =	simm.s32 $_size_execute0_lowered;
	s3 =	sadd.s32 s3, s5;
	[dreg:$0x0] =	wrdreg $0x0  }
0xa8: {  	s5 =	sshll.u32 s28, $0x1;
	[dreg:$0x2] =	wrdreg s3  }
0xa9: {  	[dreg:$0x3] =	wrdreg s5  }
0xaa: {  	[dreg:$0x4] =	wrdreg $0xC0  }
0xab: {  	_ =	task [dreg:s7], $0x5FFFF  }
0xac: {  	[dreg:$0x1] =	wrdreg $0xFFFFFFFF  }
0xad: {  	[dreg:$0x0] =	wrdreg $0x60  }
0xae: {  	[dreg:$0x2] =	wrdreg s2  }
0xaf: {  	[dreg:$0x3] =	wrdreg s24  }
0xb0: {  	[dreg:$0x4] =	wrdreg $0x9  }
0xb1: {  	_ =	task.clear_ibuf [dreg:s7], $0x5FFFF;
	_ =	strace $0x90000046  }
0xb2: {  	s29 =	simm.s32 $0x9;
	_ =	strace $0x80000048  }
0xb3: {  	_ =	swait.ge [sflag:s29], $0x1  }
0xb4: {  	[sflag:s29] =	ssyncadd.s32 $0xFFFFFFFF  }
0xb5: {  	_ =	strace $0x90000048  }
0xb6: {  	_ =	sfence  }
0xb7: {  	s30 =	sld [smem:$0x0];
	_ =	sdelay $0x2  }
0xb8: {  	s31 =	sshll.u32 s1, $0xD;
	s1 =	sshrl.u32 s1, $0x2  }
0xb9: {  	s3 =	sand.u32 $0x4000, s31;
	s1 =	sadd.s32 s1, s30  }
0xba: {  	s0 =	sor.u32 s3, s0;
	s1 =	sshll.u32 s1, $0x11  }
0xbb: {  	s0 =	sor.u32 s1, s0  }
0xbc: {  	s0 =	sadd.s32 $0x8F2B, s0  }
0xbd: {  	[sflag:s0] =	ssyncadd.remote.s32 $0x1  }
0xbe: {  	_ =	sfence.sel $0xFFFF  }
0xbf: {  	[dreg:$0x0] =	wrdreg $0xFFFFFFFF;
	(pc) =	sbr.abs _section_cstart, $3  }
0xc0: {  	[dreg:$0x1] =	wrdreg $0xFFFFFFFF  }
0xc1: {  	_ =	task.clear_ibuf [dreg:s7], $0x2FFFF;
	_ =	strace $0x9FFFFFFF  }
0xc2: {  	(tm) =	ssettm $0x7FFFFFFF  }
0xc3: {  	_ =	shalt  }
tec
execute0_lowered:
.L_overlay_start_1:
0x0: {  	(tag) =	ssettag $0x1  }
0x1: {  	s1 =	rddreg [dreg:$0x0]  }
0x2: {  	s7 =	rddreg [dreg:$0x1]  }
0x3: {  	s0 =	rddreg [dreg:$0x2];
	s2 =	simm.s32 $0x0;
	s3 =	srdreg.scid  }
0x4: {  	s12 =	simm.s32 $0x200;
	s13 =	simm.s32 $0x1;
	s14 =	simm.s32 $0x8200  }
0x5: {  	s15 =	simm.s32 $0x0;
	[smem:$0x7FF] =	sst s2;
	s8 =	sand.u32 $0x1, s3  }
0x6: {  	s4 =	sadd.s32 $0x3200, s7;
	s3 =	stileid.u32;
	s5 =	sadd.s32 $0x800, s7  }
0x7: {  	s6 =	sadd.s32 $0x9600, s7;
	s7 =	sadd.s32 $0xA600, s7;
	s9 =	ssub.s32 $0x2, s8  }
0x8: {  	_ =	strace $0x80000047;
	s11 =	sshll.u32 s3, $0x1;
	s10 =	sshrl.u32 s9, $0x1  }
0x9: {  	s8 =	sor.u32 s8, s11;
	s11 =	simm.s32 $0x100;
	s9 =	ssub.s32 s9, s10  }
0xa: {  	s8 =	smul.u32 $0x1900, s8;
	s10 =	simm.s32 $0x2;
	s9 =	smax.u32 s9, $0x1  }
.LBB2_1:
0xb: {  	s16 =	simm.s32 $0x0  }
.LBB2_2:
0xc: {  	s17 =	sshll.u32 s16, $0x8  }
0xd: {  	s17 =	sadd.s32 s8, s17  }
0xe: {  	s18 =	sshrl.u32 s17, $0x3  }
0xf: {  	s20 =	simm.s32 $0x0;
	s19 =	sadd.s32 s1, s18  }
0x10: {  	[tilespmem:s20], [sflag:$0x2] =	stream.linear.gather [hbm4b:s19+s20], $0x100, $0x38;
	[tilespmem:$0x10200] =	vst v63  }
0x11: {  	_ =	swait.ge [sflag:s10], $0x100  }
0x12: {  	[sflag:s10] =	ssyncset.done $0x0  }
0x13: {  	s18 =	sadd.s32 s4, s18;
	[sflag:s10] =	ssyncadd.s32 $0xFFFFFF00  }
0x14: {  	[tilespmem:s11], [sflag:$0x2] =	stream.linear.gather [hbm4b:s18+s20], $0x100, $0x38;
	[tilespmem:$0x10200] =	vst v63  }
0x15: {  	_ =	swait.ge [sflag:s10], $0x100  }
0x16: {  	[sflag:s10] =	ssyncset.done $0x0  }
0x17: {  	[sflag:s10] =	ssyncadd.s32 $0xFFFFFF00  }
0x18: {  	[tilespmem:s12], [sflag:$0x1] =	stream.indirect.gather [hbm4b:s5+s11], $0x80, s20, s11, $0xb8;
	[tilespmem:$0x10200] =	vst v63  }
0x19: {  	_ =	swait.ge [sflag:s13], $0x8000  }
0x1a: {  	[sflag:s13] =	ssyncset.done $0x0  }
0x1b: {  	[sflag:s13] =	ssyncadd.s32 $0xFFFF8000  }
0x1c: {  	[tilespmem:s14], [sflag:$0x1] =	stream.indirect.gather [hbm4b:s6+s11], $0x80, s11, s11, $0xb8;
	[tilespmem:$0x10200] =	vst v63  }
0x1d: {  	_ =	swait.ge [sflag:s13], $0x8000  }
0x1e: {  	[sflag:s13] =	ssyncset.done $0x0  }
0x1f: {  	s18 =	simm.s32 $0x0;
	[sflag:s13] =	ssyncadd.s32 $0xFFFF8000  }
0x20: {  	v7 =	vld [tilespmem:s18+$0x8200]  }
0x21: {  	v11 =	vld [tilespmem:s18+$0x8210]  }
0x22: {  	v5 =	vld [tilespmem:s18+$0x8220]  }
0x23: {  	v4 =	vld [tilespmem:s18+$0x8230]  }
0x24: {  	v3 =	vld [tilespmem:s18+$0x8240]  }
0x25: {  	v2 =	vld [tilespmem:s18+$0x8250]  }
0x26: {  	v1 =	vld [tilespmem:s18+$0x8260]  }
0x27: {  	v0 =	vld [tilespmem:s18+$0x8270]  }
0x28: {  	v12 =	vld [tilespmem:s18+$0x200]  }
0x29: {  	v13 =	vld [tilespmem:s18+$0x210]  }
0x2a: {  	v10 =	vld [tilespmem:s18+$0x220]  }
0x2b: {  	v9 =	vld [tilespmem:s18+$0x230]  }
0x2c: {  	v8 =	vld [tilespmem:s18+$0x240]  }
0x2d: {  	v6 =	vld [tilespmem:s18+$0x250];
	v12 =	vadd.f32 v7, v12  }
0x2e: {  	s19 =	simm.s32 $0x200;
	v11 =	vadd.f32 v11, v13;
	v7 =	vld [tilespmem:s18+$0x260]  }
.LBB2_3:
0x2f: {  	s20 =	sshra.s32 s19, $0x2;
	p0 =	sne.s32 s19, $0x1FE00;
	[tilespmem:s18+$0x200] =	vst v12;
	v5 =	vadd.f32 v5, v10;
	v10 =	vld [tilespmem:s18+$0x270]  }
0x30: {  	v12 =	vld [tilespmem:s20+$0x8200];
	[tilespmem:s18+$0x210] =	vst v11;
	v4 =	vadd.f32 v4, v9  }
0x31: {  	v11 =	vld [tilespmem:s20+$0x8210];
	[tilespmem:s18+$0x220] =	vst v5;
	v3 =	vadd.f32 v3, v8  }
0x32: {  	v5 =	vld [tilespmem:s20+$0x8220];
	[tilespmem:s18+$0x230] =	vst v4;
	v2 =	vadd.f32 v2, v6  }
0x33: {  	v4 =	vld [tilespmem:s20+$0x8230];
	[tilespmem:s18+$0x240] =	vst v3;
	v1 =	vadd.f32 v1, v7  }
0x34: {  	v3 =	vld [tilespmem:s20+$0x8240];
	[tilespmem:s18+$0x250] =	vst v2;
	v0 =	vadd.f32 v0, v10  }
0x35: {  	v2 =	vld [tilespmem:s20+$0x8250];
	[tilespmem:s18+$0x260] =	vst v1  }
0x36: {  	v1 =	vld [tilespmem:s20+$0x8260];
	[tilespmem:s18+$0x270] =	vst v0;
	s18 =	smov.u32 s20  }
0x37: {  	v0 =	vld [tilespmem:s18+$0x8270]  }
0x38: {  	v6 =	vld [tilespmem:s18+$0x200]  }
0x39: {  	v7 =	vld [tilespmem:s18+$0x210]  }
.Ltmp0:
0x3a: {  	v10 =	vld [tilespmem:s18+$0x220];
	(pc) =	sbr.rel @p0 .LBB2_3-.Ltmp0, $4  }
0x3b: {  	v9 =	vld [tilespmem:s18+$0x230]  }
0x3c: {  	v8 =	vld [tilespmem:s18+$0x240]  }
0x3d: {  	v12 =	vadd.f32 v12, v6;
	v6 =	vld [tilespmem:s18+$0x250]  }
0x3e: {  	s19 =	sadd.s32 $0x200, s19;
	v11 =	vadd.f32 v11, v7;
	v7 =	vld [tilespmem:s18+$0x260]  }
0x3f: {  	[tilespmem:s18+$0x200] =	vst v12;
	v5 =	vadd.f32 v5, v10;
	v63 =	vld [tilespmem:s18+$0x270]  }
0x40: {  	[tilespmem:s18+$0x210] =	vst v11;
	v4 =	vadd.f32 v4, v9  }
0x41: {  	[tilespmem:s18+$0x220] =	vst v5;
	v3 =	vadd.f32 v3, v8  }
0x42: {  	[tilespmem:s18+$0x230] =	vst v4;
	v2 =	vadd.f32 v2, v6  }
0x43: {  	[tilespmem:s18+$0x240] =	vst v3;
	v1 =	vadd.f32 v1, v7  }
0x44: {  	s16 =	sadd.s32 $0x1, s16;
	[tilespmem:s18+$0x250] =	vst v2;
	v0 =	vadd.f32 v0, v63  }
0x45: {  	s17 =	sshll.u32 s17, $0x4;
	p0 =	sne.s32 s16, $0x19;
	[tilespmem:s18+$0x260] =	vst v1  }
.Ltmp1:
0x46: {  	s17 =	sadd.s32 s7, s17;
	[tilespmem:s18+$0x270] =	vst v0;
	(pc) =	sbr.rel @p0 .LBB2_2-.Ltmp1, $4  }
0x47: {  	[hbm4b:s17+s2] =	stream.linear.scatter [tilespmem:s12], [sflag:$0x2], $0x8000, $0x38;
	[tilespmem:$0x10200] =	vst v63  }
0x48: {  	_ =	swait.ge [sflag:s10], $0x8000  }
0x49: {  	[sflag:s10] =	ssyncset.done $0x0  }
0x4a: {  	[sflag:s10] =	ssyncadd.s32 $0xFFFF8000  }
0x4b: {  	s15 =	sadd.s32 $0x1, s15  }
0x4c: {  	p0 =	sne.s32 s15, s9  }
.Ltmp2:
0x4d: {  	_ = 	snop;
	(pc) =	sbr.rel @p0 .LBB2_1-.Ltmp2, $1  }
0x4e: {  	_ =	sdelay $0x3  }
0x4f: {  	_ =	sfence.sel $0x180000  }
0x50: {  	[bflag:$0x0] =	sbarrier.arrive $0xFFFF  }
0x51: {  	p0 =	sne.s32 s3, $0x0;
	_ =	strace $0x90000047  }
0x52: {  	s0 =	sadd.s32 @!p0 $0x100000, s0;
	[bflag:$0x2] =	sbarrier.arrive $0xFFFF  }
0x53: {  	[sflag:s0] =	ssyncadd.tile.s32 @!p0 $0x1;
	_ =	shalt  }
.Lfunc_end2:
_tile_overlayer_lowered:
.L_overlay_start_2:
0x54: {  	(tag) =	ssettag $0x2  }
0x55: {  	s0 =	rddreg [dreg:$0x0];
	s2 =	stileid.u32  }
0x56: {  	s1 =	rddreg [dreg:$0x1];
	p0 =	sne.s32 s2, $0x0  }
0x57: {  	s3 =	rddreg [dreg:$0x2];
	[bflag:$0x3] =	sbarrier.arrive $0xFFFF;
	s2 =	simm.s32 @!p0 $0x1C02  }
0x58: {  	[timem:s3], [sflag:s2] =	dma.local @!p0 [hbm:s0], s1  }
0x59: {  	s0 =	simm.s32 @!p0 $0x2  }
0x5a: {  	_ =	swait.ge @!p0 [sflag:s0], s1  }
0x5b: {  	s1 =	ssub.s32 @!p0 $0x0, s1;
	[sflag:s0] =	ssyncset.done @!p0 $0x0  }
0x5c: {  	[sflag:s0] =	ssyncadd.s32 @!p0 s1  }
0x5d: {  	[bflag:$0x3] =	sbarrier.arrive $0xFFFF  }
0x5e: {  	_ =	shalt  }

</sc_bundles>
